<compile_context>
chip_gen: v7x
topology: tpu7x:2x2x1
jax: 0.10.2.dev20260603
libtpu: 0.0.44.dev20260713+nightly
codegen_flags: <defaults>
</compile_context>

<pallas_src>
import functools

import jax
import jax.numpy as jnp
from jax.experimental import pallas as pl
from jax.experimental.pallas import tpu as pltpu

B, N, T, P, D, O = 16, 2048, 1, 6, 128, 128
ROWS = 512


def _fused_body(embs_ref, vis_ref, wt_ref, b_ref, mask_ref, out_ref):
    combined = embs_ref[:, 0, :]
    scale = jnp.ones((ROWS, 1), jnp.float32)
    for i in range(1, P):
        v = vis_ref[:, i : i + 1]
        combined = combined + embs_ref[:, i, :] * v
        scale = scale + v
    lin = jnp.dot(combined, wt_ref[:, :], preferred_element_type=jnp.float32)
    out_ref[:, :] = (lin + scale * b_ref[0, :]) * mask_ref[:, :]


@jax.jit
def kernel(embs, vis, W, b, masks):
    rows = B * N
    embs3 = embs.reshape(rows, P, D)
    vis2 = vis.reshape(rows, P)
    maskf = masks.reshape(rows, 1).astype(jnp.float32)
    wt = W.T
    b2 = b.reshape(1, O)
    grid = (rows // ROWS,)
    out = pl.pallas_call(
        _fused_body,
        grid=grid,
        in_specs=[
            pl.BlockSpec((ROWS, P, D), lambda i: (i, 0, 0)),
            pl.BlockSpec((ROWS, P), lambda i: (i, 0)),
            pl.BlockSpec((D, O), lambda i: (0, 0)),
            pl.BlockSpec((1, O), lambda i: (0, 0)),
            pl.BlockSpec((ROWS, 1), lambda i: (i, 0)),
        ],
        out_specs=pl.BlockSpec((ROWS, O), lambda i: (i, 0)),
        out_shape=jax.ShapeDtypeStruct((rows, O), jnp.float32),
        compiler_params=pltpu.CompilerParams(
            dimension_semantics=("arbitrary",),
        ),
    )(embs3, vis2, wt, b2, maskf)
    return out.reshape(B, N, O)

# --- scband reference (transcript-rebuilt; emitter-appended) ---
"""Pipeline reference for scband-parts-embeddings-ema-25013889532442 (READ-ONLY COPY).

The authoritative reference and input builder live on the scoring server;
editing this copy changes nothing except your own understanding.
"""

import jax, jax.numpy as jnp
import numpy as np

B, N, T, P, D, O = 16, 2048, 1, 6, 128, 128


def setup_inputs(seed: int = 0) -> dict:
    key = jax.random.key(seed)
    k1, k2, k3, k4, k5 = jax.random.split(key, 5)
    embs = jax.random.normal(k1, (B, N, T, P, D), dtype=jnp.float32)
    vis = jax.random.uniform(k2, (B, N, T, P), dtype=jnp.float32)
    masks = jax.random.randint(k3, (B, N, T), 0, 2).astype(bool)
    # shared nn.Linear(emb_size, output_dim): the ModuleList replicates the SAME
    # module object (num_parts+1) times, so a single (W, b) is shared by all parts.
    W = jax.random.normal(k4, (O, D), dtype=jnp.float32) * 0.05
    b = jax.random.normal(k5, (O,), dtype=jnp.float32) * 0.05
    return {"embs": embs, "vis": vis, "W": W, "b": b, "masks": masks}


def reference(embs, vis, W, b, masks):
    # masks.shape[2] == 1, so smart_ema is skipped.
    # use_lin_proj=True path: shared linear applied to each of the P parts.
    lin = jnp.einsum('bntpd,od->bntpo', embs, W) + b  # [B,N,T,P,O]
    out = lin[..., 0, :]
    for i in range(1, lin.shape[-2]):
        out = out + lin[..., i, :] * vis[..., i][..., None]
    # dropout in eval mode = identity
    # results = zeros[...]; results[masks] = output  <=> masked scatter-overwrite,
    # equivalent per-position to a where() since the op is elementwise over (b,n,t).
    results = jnp.where(masks[..., None], out, jnp.zeros_like(out))
    return jnp.squeeze(results, axis=2)  # [B, N, output_dim]

if __name__ == "__main__":
    import jax
    _d = setup_inputs()
    print(jax.jit(kernel)(*tuple(_d.values())))

</pallas_src>

<mosaic_0001>
module attributes {stable_mosaic.version = 14 : i64} {
  func.func @_fused_body(%arg0: i32, %arg1: memref<512x6x128xf32, #tpu.memory_space<vmem>>, %arg2: memref<512x6xf32, #tpu.memory_space<vmem>>, %arg3: memref<128x128xf32, #tpu.memory_space<vmem>>, %arg4: memref<1x128xf32, #tpu.memory_space<vmem>>, %arg5: memref<512x1xf32, #tpu.memory_space<vmem>>, %arg6: memref<512x128xf32, #tpu.memory_space<vmem>>) attributes {dimension_semantics = [#tpu.dimension_semantics<arbitrary>], iteration_bounds = array<i64: 64>, scalar_prefetch = 0 : i64, scratch_operands = 0 : i64, tpu.core_type = #tpu.core_type<tc>, window_params = [{transform_indices = @transform_0, window_bounds = array<i64: 512, 6, 128>}, {transform_indices = @transform_1, window_bounds = array<i64: 512, 6>}, {pipeline_mode = #tpu.pipeline_mode<synchronous>, transform_indices = @transform_2, window_bounds = array<i64: 128, 128>}, {pipeline_mode = #tpu.pipeline_mode<synchronous>, transform_indices = @transform_3, window_bounds = array<i64: 1, 128>}, {transform_indices = @transform_4, window_bounds = array<i64: 512, 1>}, {transform_indices = @transform_5, window_bounds = array<i64: 512, 128>}]} {
    %get3A = arith.constant 0 : index
    %get3A_0 = arith.constant 0 : index
    %get3A_1 = arith.constant 0 : index
    %get3A_2 = vector.load %arg1[%get3A, %get3A_0, %get3A_1] : memref<512x6x128xf32, #tpu.memory_space<vmem>>, vector<512x1x128xf32>
    %get3A_3 = vector.shape_cast %get3A_2 : vector<512x1x128xf32> to vector<512x128xf32>
    %broadcast_in_dim3A = arith.constant 1.000000e+00 : f32
    %broadcast_in_dim3A_4 = vector.broadcast %broadcast_in_dim3A : f32 to vector<512x1xf32>
    %get3A_5 = arith.constant 0 : index
    %get3A_6 = arith.constant 1 : index
    %get3A_7 = vector.load %arg2[%get3A_5, %get3A_6] : memref<512x6xf32, #tpu.memory_space<vmem>>, vector<512x1xf32>
    %get3A_8 = arith.constant 0 : index
    %get3A_9 = arith.constant 1 : index
    %get3A_10 = arith.constant 0 : index
    %get3A_11 = vector.load %arg1[%get3A_8, %get3A_9, %get3A_10] : memref<512x6x128xf32, #tpu.memory_space<vmem>>, vector<512x1x128xf32>
    %get3A_12 = vector.shape_cast %get3A_11 : vector<512x1x128xf32> to vector<512x128xf32>
    %mul3A = vector.broadcast %get3A_7 : vector<512x1xf32> to vector<512x128xf32>
    %mul3A_13 = arith.mulf %get3A_12, %mul3A : vector<512x128xf32>
    %add3A = arith.addf %get3A_3, %mul3A_13 : vector<512x128xf32>
    %add3A_14 = arith.addf %broadcast_in_dim3A_4, %get3A_7 : vector<512x1xf32>
    %get3A_15 = arith.constant 0 : index
    %get3A_16 = arith.constant 2 : index
    %get3A_17 = vector.load %arg2[%get3A_15, %get3A_16] : memref<512x6xf32, #tpu.memory_space<vmem>>, vector<512x1xf32>
    %get3A_18 = arith.constant 0 : index
    %get3A_19 = arith.constant 2 : index
    %get3A_20 = arith.constant 0 : index
    %get3A_21 = vector.load %arg1[%get3A_18, %get3A_19, %get3A_20] : memref<512x6x128xf32, #tpu.memory_space<vmem>>, vector<512x1x128xf32>
    %get3A_22 = vector.shape_cast %get3A_21 : vector<512x1x128xf32> to vector<512x128xf32>
    %mul3A_23 = vector.broadcast %get3A_17 : vector<512x1xf32> to vector<512x128xf32>
    %mul3A_24 = arith.mulf %get3A_22, %mul3A_23 : vector<512x128xf32>
    %add3A_25 = arith.addf %add3A, %mul3A_24 : vector<512x128xf32>
    %add3A_26 = arith.addf %add3A_14, %get3A_17 : vector<512x1xf32>
    %get3A_27 = arith.constant 0 : index
    %get3A_28 = arith.constant 3 : index
    %get3A_29 = vector.load %arg2[%get3A_27, %get3A_28] : memref<512x6xf32, #tpu.memory_space<vmem>>, vector<512x1xf32>
    %get3A_30 = arith.constant 0 : index
    %get3A_31 = arith.constant 3 : index
    %get3A_32 = arith.constant 0 : index
    %get3A_33 = vector.load %arg1[%get3A_30, %get3A_31, %get3A_32] : memref<512x6x128xf32, #tpu.memory_space<vmem>>, vector<512x1x128xf32>
    %get3A_34 = vector.shape_cast %get3A_33 : vector<512x1x128xf32> to vector<512x128xf32>
    %mul3A_35 = vector.broadcast %get3A_29 : vector<512x1xf32> to vector<512x128xf32>
    %mul3A_36 = arith.mulf %get3A_34, %mul3A_35 : vector<512x128xf32>
    %add3A_37 = arith.addf %add3A_25, %mul3A_36 : vector<512x128xf32>
    %add3A_38 = arith.addf %add3A_26, %get3A_29 : vector<512x1xf32>
    %get3A_39 = arith.constant 0 : index
    %get3A_40 = arith.constant 4 : index
    %get3A_41 = vector.load %arg2[%get3A_39, %get3A_40] : memref<512x6xf32, #tpu.memory_space<vmem>>, vector<512x1xf32>
    %get3A_42 = arith.constant 0 : index
    %get3A_43 = arith.constant 4 : index
    %get3A_44 = arith.constant 0 : index
    %get3A_45 = vector.load %arg1[%get3A_42, %get3A_43, %get3A_44] : memref<512x6x128xf32, #tpu.memory_space<vmem>>, vector<512x1x128xf32>
    %get3A_46 = vector.shape_cast %get3A_45 : vector<512x1x128xf32> to vector<512x128xf32>
    %mul3A_47 = vector.broadcast %get3A_41 : vector<512x1xf32> to vector<512x128xf32>
    %mul3A_48 = arith.mulf %get3A_46, %mul3A_47 : vector<512x128xf32>
    %add3A_49 = arith.addf %add3A_37, %mul3A_48 : vector<512x128xf32>
    %add3A_50 = arith.addf %add3A_38, %get3A_41 : vector<512x1xf32>
    %get3A_51 = arith.constant 0 : index
    %get3A_52 = arith.constant 5 : index
    %get3A_53 = vector.load %arg2[%get3A_51, %get3A_52] : memref<512x6xf32, #tpu.memory_space<vmem>>, vector<512x1xf32>
    %get3A_54 = arith.constant 0 : index
    %get3A_55 = arith.constant 5 : index
    %get3A_56 = arith.constant 0 : index
    %get3A_57 = vector.load %arg1[%get3A_54, %get3A_55, %get3A_56] : memref<512x6x128xf32, #tpu.memory_space<vmem>>, vector<512x1x128xf32>
    %get3A_58 = vector.shape_cast %get3A_57 : vector<512x1x128xf32> to vector<512x128xf32>
    %mul3A_59 = vector.broadcast %get3A_53 : vector<512x1xf32> to vector<512x128xf32>
    %mul3A_60 = arith.mulf %get3A_58, %mul3A_59 : vector<512x128xf32>
    %add3A_61 = arith.addf %add3A_49, %mul3A_60 : vector<512x128xf32>
    %add3A_62 = arith.addf %add3A_50, %get3A_53 : vector<512x1xf32>
    %get3A_63 = arith.constant 0 : index
    %get3A_64 = arith.constant 0 : index
    %get3A_65 = vector.load %arg3[%get3A_63, %get3A_64] : memref<128x128xf32, #tpu.memory_space<vmem>>, vector<128x128xf32>
    %dot_general3A = arith.constant dense<0.000000e+00> : vector<512x128xf32>
    %dot_general3A_66 = tpu.matmul %add3A_61, %get3A_65, %dot_general3A {dimension_numbers = #tpu.dot_dimension_numbers<[1], [0], [0], [1], [0, 0, 1, 1], [], []>, transpose_lhs_hint = false} : vector<512x128xf32>, vector<128x128xf32>, vector<512x128xf32> -> vector<512x128xf32>
    %get3A_67 = arith.constant 0 : index
    %get3A_68 = arith.constant 0 : index
    %get3A_69 = vector.load %arg4[%get3A_67, %get3A_68] : memref<1x128xf32, #tpu.memory_space<vmem>>, vector<1x128xf32>
    %get3A_70 = vector.shape_cast %get3A_69 : vector<1x128xf32> to vector<128xf32>
    %broadcast_in_dim3A_71 = vector.shape_cast %get3A_70 : vector<128xf32> to vector<1x128xf32>
    %mul3A_72 = vector.broadcast %add3A_62 : vector<512x1xf32> to vector<512x128xf32>
    %mul3A_73 = vector.broadcast %broadcast_in_dim3A_71 : vector<1x128xf32> to vector<512x128xf32>
    %mul3A_74 = arith.mulf %mul3A_72, %mul3A_73 : vector<512x128xf32>
    %add3A_75 = arith.addf %dot_general3A_66, %mul3A_74 : vector<512x128xf32>
    %get3A_76 = arith.constant 0 : index
    %get3A_77 = arith.constant 0 : index
    %get3A_78 = vector.load %arg5[%get3A_76, %get3A_77] : memref<512x1xf32, #tpu.memory_space<vmem>>, vector<512x1xf32>
    %mul3A_79 = vector.broadcast %get3A_78 : vector<512x1xf32> to vector<512x128xf32>
    %mul3A_80 = arith.mulf %add3A_75, %mul3A_79 : vector<512x128xf32>
    %swap3A = arith.constant 0 : index
    %swap3A_81 = arith.constant 0 : index
    %swap3A_82 = vector.load %arg6[%swap3A, %swap3A_81] : memref<512x128xf32, #tpu.memory_space<vmem>>, vector<512x128xf32>
    tpu.vector_store %arg6[%swap3A, %swap3A_81], %mul3A_80 {strides = array<i32>} : memref<512x128xf32, #tpu.memory_space<vmem>>, vector<512x128xf32>,
    return
  }
  func.func @transform_0(%arg0: i32) -> (i32, i32, i32) {
    %c0_i32 = arith.constant 0 : i32
    %c0_i32_0 = arith.constant 0 : i32
    %c0_i32_1 = arith.constant 0 : i32
    return %arg0, %c0_i32, %c0_i32_0 : i32, i32, i32
  }
  func.func @transform_1(%arg0: i32) -> (i32, i32) {
    %c0_i32 = arith.constant 0 : i32
    %c0_i32_0 = arith.constant 0 : i32
    return %arg0, %c0_i32 : i32, i32
  }
  func.func @transform_2(%arg0: i32) -> (i32, i32) {
    %c0_i32 = arith.constant 0 : i32
    %c0_i32_0 = arith.constant 0 : i32
    %c0_i32_1 = arith.constant 0 : i32
    return %c0_i32, %c0_i32_0 : i32, i32
  }
  func.func @transform_3(%arg0: i32) -> (i32, i32) {
    %c0_i32 = arith.constant 0 : i32
    %c0_i32_0 = arith.constant 0 : i32
    %c0_i32_1 = arith.constant 0 : i32
    return %c0_i32, %c0_i32_0 : i32, i32
  }
  func.func @transform_4(%arg0: i32) -> (i32, i32) {
    %c0_i32 = arith.constant 0 : i32
    %c0_i32_0 = arith.constant 0 : i32
    return %arg0, %c0_i32 : i32, i32
  }
  func.func @transform_5(%arg0: i32) -> (i32, i32) {
    %c0_i32 = arith.constant 0 : i32
    %c0_i32_0 = arith.constant 0 : i32
    return %arg0, %c0_i32 : i32, i32
  }
}

</mosaic_0001>

<sc_bundles>
// kernel: sparse-core-data-format-call.cloned.1.call-start
scs
called_computation_lowered:
.L_overlay_start_0:
0x0: {  	s2 =	sld [smem:$0x3FD9]  }
0x1: {  	s3 =	sld [smem:$0x3FFE];
	_ =	sdelay $0x1  }
0x2: {  	s1 =	srdreg.scid  }
0x3: {  	s0 =	sand.u32 $0x1, s1  }
0x4: {  	s18 =	sshll.u32 s0, $0xA;
	s2 =	sadd.s32 s3, s2  }
0x5: {  	s2 =	sadd.s32 s2, s18  }
0x6: {  	[smem:$0x3FC3] =	sst s2  }
0x7: {  	_ = 	snop  }
0x8: {  	s2 =	sld [smem:$0x3FC9];
	(tm) =	ssettm $0x1  }
0x9: {  	s19 =	sld [smem:$0x3FFB];
	_ =	sdelay $0x3  }
0xa: {  	_ =	strace s19  }
0xb: {  	s3 =	sld [smem:$0x3FFC];
	_ =	sdelay $0x3  }
0xc: {  	_ =	strace s3  }
0xd: {  	s3 =	sld [smem:$0x3FFD];
	_ =	sdelay $0x3  }
0xe: {  	_ =	strace s3  }
0xf: {  	_ =	strace $0x8FFFFFFF  }
0x10: {  	s20 =	sld [smem:$0x3FDB];
	_ =	sdelay $0x1  }
0x11: {  	s4 =	simm.s32 $_scs_section_size  }
0x12: {  	s5 =	simm.s32 $_size__tile_overlayer_lowered;
	s6 =	simm.s32 $_tile_overlayer_lowered  }
0x13: {  	s23 =	simm.s32 $0x1BFF;
	s22 =	sshll.u32 s6, $0x1;
	s3 =	sadd.s32 s4, s20  }
0x14: {  	s7 =	simm.s32 $0x0;
	s21 =	sshll.u32 s5, $0x1;
	s5 =	sadd.s32 s22, s3  }
0x15: {  	[timem:s7], [sflag:s23] =	dma.local [hbm:s5], s21  }
0x16: {  	_ =	swait.ge [sflag:s23], s21  }
0x17: {  	s4 =	ssub.s32 $0x0, s21;
	[sflag:s23] =	ssyncset.done $0x0  }
0x18: {  	[sflag:s23] =	ssyncadd.s32 s4;
	_ =	sdelay $0x1  }
0x19: {  	s24 =	simm.s32 $0x1B8B  }
0x1a: {  	_ =	swait.ge [sflag:s24], $0x1  }
0x1b: {  	[sflag:s24] =	ssyncset.done $0x0  }
0x1c: {  	s26 =	simm.s32 $0x1B8E;
	s25 =	sld [smem:$0x3FFE];
	[sflag:s24] =	ssyncadd.s32 $0xFFFFFFFF  }
0x1d: {  	s27 =	simm.s32 $execute0_lowered;
	[smem:$0x3FD2] =	sst s26  }
0x1e: {  	s5 =	sshll.u32 s27, $0x1;
	_ =	strace $0x80000046;
	[dreg:$0x1] =	wrdreg $0xFFFFFFFF  }
0x1f: {  	s28 =	simm.s32 $_size_execute0_lowered;
	s3 =	sadd.s32 s3, s5;
	[dreg:$0x0] =	wrdreg $0x0  }
0x20: {  	s5 =	sshll.u32 s28, $0x1;
	[dreg:$0x2] =	wrdreg s3  }
0x21: {  	[dreg:$0x3] =	wrdreg s5  }
0x22: {  	[dreg:$0x4] =	wrdreg $0xC0  }
0x23: {  	_ =	task [dreg:s7], $0x5FFFF  }
0x24: {  	[dreg:$0x1] =	wrdreg $0xFFFFFFFF  }
0x25: {  	[dreg:$0x0] =	wrdreg $0x60  }
0x26: {  	[dreg:$0x2] =	wrdreg s2  }
0x27: {  	[dreg:$0x3] =	wrdreg s25  }
0x28: {  	[dreg:$0x4] =	wrdreg $0x9  }
0x29: {  	_ =	task.clear_ibuf [dreg:s7], $0x5FFFF;
	_ =	strace $0x90000046  }
0x2a: {  	s29 =	simm.s32 $0x9;
	_ =	strace $0x80000048  }
0x2b: {  	_ =	swait.ge [sflag:s29], $0x1  }
0x2c: {  	[sflag:s29] =	ssyncadd.s32 $0xFFFFFFFF  }
0x2d: {  	_ =	strace $0x90000048  }
0x2e: {  	_ =	sfence  }
0x2f: {  	s30 =	sld [smem:$0x0];
	_ =	sdelay $0x2  }
0x30: {  	s31 =	sshll.u32 s1, $0xD;
	s1 =	sshrl.u32 s1, $0x2  }
0x31: {  	s3 =	sand.u32 $0x4000, s31;
	s1 =	sadd.s32 s1, s30  }
0x32: {  	s0 =	sor.u32 s3, s0;
	s1 =	sshll.u32 s1, $0x11  }
0x33: {  	s0 =	sor.u32 s1, s0  }
0x34: {  	s0 =	sadd.s32 $0x8F2B, s0  }
0x35: {  	[sflag:s0] =	ssyncadd.remote.s32 $0x1  }
0x36: {  	_ =	sfence.sel $0xFFFF  }
0x37: {  	[dreg:$0x0] =	wrdreg $0xFFFFFFFF;
	(pc) =	sbr.abs _section_cstart, $3  }
0x38: {  	[dreg:$0x1] =	wrdreg $0xFFFFFFFF  }
0x39: {  	_ =	task.clear_ibuf [dreg:s7], $0x2FFFF;
	_ =	strace $0x9FFFFFFF  }
0x3a: {  	(tm) =	ssettm $0x7FFFFFFF  }
0x3b: {  	_ =	shalt  }
tec
execute0_lowered:
.L_overlay_start_1:
0x0: {  	(tag) =	ssettag $0x1  }
0x1: {  	s2 =	rddreg [dreg:$0x0]  }
0x2: {  	s0 =	srdreg.scid;
	s6 =	rddreg [dreg:$0x1]  }
0x3: {  	s7 =	simm.s32 $0x2;
	s14 =	simm.s32 $0x0;
	s0 =	sshll.u32 s0, $0x6  }
0x4: {  	s8 =	simm.s32 $0x100;
	s9 =	simm.s32 $0x400;
	s1 =	sand.u32 $0x40, s0  }
0x5: {  	s15 =	simm.s32 $0x0;
	s16 =	simm.s32 $0x0;
	s3 =	ssub.s32 $0x800, s1  }
0x6: {  	s10 =	simm.s32 $0x0;
	s12 =	stileid.u32;
	s4 =	sshrl.u32 s3, $0x6  }
.Ltmp0:
0x7: {  	s3 =	sshrl.u32 s3, $0x7;
	s5 =	sand.u32 $0x1, s4;
	(pc) =	sbr.rel .LBB1_1-.Ltmp0, $4  }
0x8: {  	s13 =	simm.s32 $0x0;
	s0 =	rddreg [dreg:$0x2];
	s3 =	sadd.s32 s3, s5  }
0x9: {  	_ =	strace $0x80000047;
	s4 =	simm.s32 $0x1;
	s5 =	smul.u32 $0x3, s3  }
0xa: {  	s6 =	sadd.s32 $0xC00, s6;
	s11 =	smov.u32 s1;
	[sflag:s4] =	ssyncpa.u1 $0x0  }
0xb: {  	s3 =	stileid.u32;
	[sflag:s7] =	ssyncpa.u1 $0x0;
	s7 =	sadd.s32 $0x1, s5  }
.LBB1_7:
0xc: {  	s17 =	sadd.s32 $0x2, s10  }
0xd: {  	s14 =	sadd.s32 $0x80, s11;
	s18 =	smov.u32 s11;
	p1 =	sgt.s32 s17, $0x5  }
0xe: {  	s18 =	smov.u32 @p1 s14  }
0xf: {  	s20 =	smov.u32 s12;
	s14 =	sadd.s32 $0x10, s12;
	p2 =	sgt.s32 s18, $0x7FF  }
0x10: {  	s20 =	smov.u32 @p2 s14  }
0x11: {  	s17 =	simm.s32 @p1 $0x0;
	p1 =	sgt.s32 s20, $0xF  }
0x12: {  	p0 =	slt.u32 s13, $0x2;
	s20 =	smov.u32 @p1 s3;
	p1 =	sne.s32 s13, s7  }
.Ltmp1:
0x13: {  	s19 =	simm.s32 @!p0 $0x2;
	(pc) =	sbr.rel @!p1 .LBB1_8-.Ltmp1, $4  }
0x14: {  	s15 =	smov.u32 s11;
	_ =	swait.ge @!p0 [sflag:s19], $0x4000  }
0x15: {  	s16 =	smov.u32 s12;
	[sflag:s19] =	ssyncset.done @!p0 $0x0;
	s18 =	smov.u32 @p2 s1  }
0x16: {  	s14 =	smov.u32 s10;
	[sflag:s19] =	ssyncadd.s32 @!p0 $0xFFFFC000;
	s10 =	smov.u32 s17  }
0x17: {  	s11 =	smov.u32 s18;
	s13 =	sadd.s32 $0x1, s13;
	s12 =	smov.u32 s20  }
.LBB1_1:
0x18: {  	p0 =	sge.u32 s13, s5  }
0x19: {  	s17 =	smul.u32 @!p0 $0x30000, s12  }
0x1a: {  	s18 =	sxor.u32 @!p0 $0xFFFFFFFF, s13;
	s19 =	smul.u32 @!p0 $0x60, s11  }
0x1b: {  	s31 =	sadd.s32 $0xFFFFFFFF, s13;
	s18 =	sshll.u32 @!p0 s18, $0xE;
	s17 =	sadd.s32 @!p0 s2, s17  }
0x1c: {  	s20 =	sshll.u32 @!p0 s10, $0x4;
	s18 =	sand.u32 @!p0 $0x4000, s18;
	s17 =	sadd.s32 @!p0 s19, s17  }
0x1d: {  	s19 =	simm.s32 @!p0 $0x100;
	s17 =	sadd.s32 @!p0 s20, s17;
	s20 =	simm.s32 @!p0 $0x300  }
0x1e: {  	[tilespmem:s18], [sflag:$0x1] =	stream.strided.gather @!p0 [hbm4b:s17+s19], $0x4000, s20, s19, $0x38;
	[tilespmem:$0x10000] =	vst v63  }
0x1f: {  	p0 =	sge.u32 s31, s5  }
.Ltmp2:
0x20: {  	_ = 	snop;
	(pc) =	sbr.rel @p0 .LBB1_7-.Ltmp2, $1  }
0x21: {  	_ =	sdelay $0x3  }
0x22: {  	_ =	swait.ge [sflag:s4], $0x4000;
	s17 =	sshll.u32 s13, $0xE  }
0x23: {  	[sflag:s4] =	ssyncset.done $0x0;
	s18 =	sand.u32 $0x4000, s17  }
0x24: {  	s19 =	simm.s32 $0x0;
	[sflag:s4] =	ssyncadd.s32 $0xFFFFC000;
	s17 =	sor.u32 $0x8000, s18  }
.LBB1_3:
0x25: {  	s20 =	sshll.u32 s19, $0x8  }
0x26: {  	s21 =	sadd.s32 s20, s18  }
0x27: {  	v0 =	vmov s21;
	_ =	sdelay $0x1  }
0x28: {  	s20 =	sadd.s32 s20, s17  }
0x29: {  	p0 =	por $0x1, $0x1;
	v1 =	vmov s20;
	s20 =	simm.s32 $0x0  }
.LBB1_4:
0x2a: {  	s20 =	sshra.s32 s20, $0x2  }
0x2b: {  	v2 =	vld.idx.msk [tilespmem:v0+s20+$0x0 ss:$0x1], $0xffff  }
0x2c: {  	v3 =	vld.idx.msk [tilespmem:v0+s20+$0x10 ss:$0x1], $0xffff  }
0x2d: {  	v4 =	vld.idx.msk [tilespmem:v0+s20+$0x20 ss:$0x1], $0xffff  }
0x2e: {  	v5 =	vld.idx.msk [tilespmem:v0+s20+$0x30 ss:$0x1], $0xffff  }
0x2f: {  	v6 =	vld.idx.msk [tilespmem:v0+s20+$0x40 ss:$0x1], $0xffff  }
0x30: {  	v63 =	vld.idx.msk [tilespmem:v0+s20+$0x70 ss:$0x1], $0xffff;
	[tilespmem:v1+s20+$0x0 ss:$0x1] =	vst.idx.msk $0xffff, v2  }
0x31: {  	v2 =	vld.idx.msk [tilespmem:v0+s20+$0x50 ss:$0x1], $0xffff;
	[tilespmem:v1+s20+$0x10 ss:$0x1] =	vst.idx.msk $0xffff, v3  }
0x32: {  	p1 =	por p0, p0;
	v3 =	vld.idx.msk [tilespmem:v0+s20+$0x60 ss:$0x1], $0xffff;
	[tilespmem:v1+s20+$0x20 ss:$0x1] =	vst.idx.msk $0xffff, v4  }
.Ltmp3:
0x33: {  	[tilespmem:v1+s20+$0x30 ss:$0x1] =	vst.idx.msk $0xffff, v5;
	(pc) =	sbr.rel @p1 .LBB1_4-.Ltmp3, $4  }
0x34: {  	[tilespmem:v1+s20+$0x40 ss:$0x1] =	vst.idx.msk $0xffff, v6  }
0x35: {  	[tilespmem:v1+s20+$0x70 ss:$0x1] =	vst.idx.msk $0xffff, v63  }
0x36: {  	[tilespmem:v1+s20+$0x50 ss:$0x1] =	vst.idx.msk $0xffff, v2  }
0x37: {  	p0 =	por $0x0, $0x0;
	[tilespmem:v1+s20+$0x60 ss:$0x1] =	vst.idx.msk $0xffff, v3;
	s20 =	simm.s32 $0x200  }
0x38: {  	s19 =	sadd.s32 $0x1, s19  }
0x39: {  	p0 =	sne.s32 s19, $0x40  }
.Ltmp4:
0x3a: {  	_ = 	snop;
	(pc) =	sbr.rel @p0 .LBB1_3-.Ltmp4, $1  }
0x3b: {  	_ =	sdelay $0x3  }
.Ltmp5:
0x3c: {  	s16 =	sshll.u32 s16, $0x12;
	(pc) =	sbr.rel .LBB1_7-.Ltmp5, $4  }
0x3d: {  	s15 =	sshll.u32 s15, $0x7;
	s14 =	sshll.u32 s14, $0x4;
	s16 =	sadd.s32 s6, s16  }
0x3e: {  	s14 =	sand.u32 $0x70, s14;
	s15 =	sadd.s32 s15, s16  }
0x3f: {  	s14 =	sadd.s32 s14, s15  }
0x40: {  	[hbm4b:s14+s8] =	stream.strided.scatter [tilespmem:s17], [sflag:$0x2], $0x4000, s9, s8, $0x38;
	[tilespmem:$0x10000] =	vst v63  }
.LBB1_8:
0x41: {  	_ =	sfence.sel $0x180000  }
0x42: {  	s1 =	simm.s32 $0x1;
	[bflag:$0x0] =	sbarrier.arrive $0xFFFF  }
0x43: {  	s31 =	simm.s32 $0x2;
	[sflag:s1] =	ssyncpa.u1 $0x1  }
0x44: {  	[sflag:s31] =	ssyncpa.u1 $0x1  }
0x45: {  	p0 =	sne.s32 s3, $0x0;
	_ =	strace $0x90000047  }
0x46: {  	s0 =	sadd.s32 @!p0 $0x100000, s0;
	[bflag:$0x2] =	sbarrier.arrive $0xFFFF  }
0x47: {  	[sflag:s0] =	ssyncadd.tile.s32 @!p0 $0x1;
	_ =	shalt  }
.Lfunc_end1:
_tile_overlayer_lowered:
.L_overlay_start_2:
0x48: {  	(tag) =	ssettag $0x2  }
0x49: {  	s0 =	rddreg [dreg:$0x0];
	s2 =	stileid.u32  }
0x4a: {  	s1 =	rddreg [dreg:$0x1];
	p0 =	sne.s32 s2, $0x0  }
0x4b: {  	s3 =	rddreg [dreg:$0x2];
	[bflag:$0x3] =	sbarrier.arrive $0xFFFF;
	s2 =	simm.s32 @!p0 $0x1C01  }
0x4c: {  	[timem:s3], [sflag:s2] =	dma.local @!p0 [hbm:s0], s1  }
0x4d: {  	s0 =	simm.s32 @!p0 $0x1  }
0x4e: {  	_ =	swait.ge @!p0 [sflag:s0], s1  }
0x4f: {  	s1 =	ssub.s32 @!p0 $0x0, s1;
	[sflag:s0] =	ssyncset.done @!p0 $0x0  }
0x50: {  	[sflag:s0] =	ssyncadd.s32 @!p0 s1  }
0x51: {  	[bflag:$0x3] =	sbarrier.arrive $0xFFFF  }
0x52: {  	_ =	shalt  }

</sc_bundles>
